<compile_context>
chip_gen: v7x
topology: tpu7x:2x2x1
jax: 0.10.2.dev20260603
libtpu: 0.0.44.dev20260713+nightly
codegen_flags: <defaults>
</compile_context>

<pallas_src>
import functools

import jax
import jax.numpy as jnp
from jax import lax
from jax.experimental import pallas as pl
from jax.experimental.pallas import tpu as pltpu
from jax.experimental.pallas import tpu_sc as plsc

_DIM = 128
_B = 4096
_L = 50
_V = 1000
_NW = 32
_CHUNK = 128
_NGATH = (_B * _L) // (_NW * _CHUNK)
_NBUF = 6
_DEPTH = 3


def _gather(idx3d, table):
    mesh = plsc.VectorSubcoreMesh(core_axis_name="c", subcore_axis_name="s")

    @functools.partial(
        pl.kernel,
        out_type=jax.ShapeDtypeStruct((_B * _L, _DIM), jnp.float32),
        mesh=mesh,
        scratch_types=[
            pltpu.VMEM_SHARED((_V, _DIM), jnp.float32),
            pltpu.VMEM((_NGATH, _CHUNK), jnp.int32),
            pltpu.VMEM((_NBUF, _CHUNK, _DIM), jnp.float32),
            pltpu.SemaphoreType.DMA((_NBUF,)),
            pltpu.SemaphoreType.DMA((_NBUF,)),
        ],
    )
    def body(idx_hbm, table_hbm, out_hbm, table_s, idx_v, rows_v, gsem, ssem):
        sid = lax.axis_index("s")
        wid = sid * 2 + lax.axis_index("c")
        base = wid * _NGATH * _CHUNK

        @pl.when(sid == 0)
        def _():
            pltpu.sync_copy(table_hbm, table_s)

        pltpu.sync_copy(idx_hbm.at[wid], idx_v)
        plsc.subcore_barrier()

        def fire_gather(g, slot):
            pltpu.async_copy(
                table_s.at[idx_v.at[g]],
                rows_v.at[slot],
                gsem.at[slot],
            )

        def wait_gather(g, slot):
            pltpu.make_async_copy(
                table_s.at[idx_v.at[g]],
                rows_v.at[slot],
                gsem.at[slot],
            ).wait()

        def fire_store(g, slot):
            pltpu.async_copy(
                rows_v.at[slot],
                out_hbm.at[pl.ds(base + g * _CHUNK, _CHUNK)],
                ssem.at[slot],
            )

        def wait_store(g, slot):
            pltpu.make_async_copy(
                rows_v.at[slot],
                out_hbm.at[pl.ds(base + g * _CHUNK, _CHUNK)],
                ssem.at[slot],
            ).wait()

        for r in range(_DEPTH):
            fire_gather(r, r)

        def step(g, carry):
            slot = g % _NBUF
            nslot = (g + _DEPTH) % _NBUF
            wait_gather(g, slot)
            fire_store(g, slot)

            @pl.when(g + _DEPTH < _NGATH)
            def _():
                @pl.when(g + _DEPTH >= _NBUF)
                def _():
                    wait_store(g + _DEPTH - _NBUF, nslot)

                fire_gather(g + _DEPTH, nslot)

            return carry

        lax.fori_loop(0, _NGATH, step, 0)
        for g in range(_NGATH - _NBUF, _NGATH):
            wait_store(g, g % _NBUF)

    return body(idx3d, table)


def kernel(token_ids, table):
    idx3d = token_ids.reshape(_NW, _NGATH, _CHUNK)
    return _gather(idx3d, table).reshape(_B, _L, _DIM)

# --- scband reference (transcript-rebuilt; emitter-appended) ---
"""Pipeline reference for scband-pretrained-word-embedding-with-tokenizer-23381801960085 (READ-ONLY COPY).

The authoritative reference and input builder live on the scoring server;
editing this copy changes nothing except your own understanding.
"""

import jax, jax.numpy as jnp
import numpy as np

VOCAB = 1000  # 998 tokens + <pad>(0) + <unk>(1)
DIM = 128
B = 4096
L = 50


def setup_inputs(seed: int = 0) -> dict:
    key = jax.random.key(seed)
    k1, k2 = jax.random.split(key)
    token_ids = jax.random.randint(k1, (B, L), 0, VOCAB, dtype=jnp.int32)
    table = jax.random.normal(k2, (VOCAB, DIM), dtype=jnp.float32) * 0.1
    # nn.Embedding(padding_idx=0): pad row is zero
    table = table.at[0].set(0.0)
    return {"token_ids": token_ids, "table": table}


def reference(token_ids, table):
    # Faithful model of PretrainedWordEmbeddingWithTokenizer.forward after
    # tokenization/padding: a row-gather embedding lookup with padding_idx=0.
    # The mask reproduces padding_idx semantics (pad row contributes zeros).
    mask = (token_ids != 0)[..., None].astype(table.dtype)
    out = jnp.take(table, token_ids, axis=0) * mask
    return out

if __name__ == "__main__":
    import jax
    _d = setup_inputs()
    print(jax.jit(kernel)(*tuple(_d.values())))

</pallas_src>

<mosaic_0001>
#map = affine_map<(d0, d1) -> (0, 0, 0)>
#map1 = affine_map<(d0, d1) -> (0, 0)>
module attributes {stable_mosaic.version = 14 : i64} {
  func.func @body(%arg0: i32, %arg1: i32, %arg2: memref<32x50x128xi32, #tpu.memory_space<hbm>>, %arg3: memref<1000x128xf32, #tpu.memory_space<hbm>>, %arg4: memref<204800x128xf32, #tpu.memory_space<hbm>>, %arg5: memref<1000x128xf32, #tpu.memory_space<vmem_shared>>, %arg6: memref<50x128xi32, #tpu.memory_space<vmem>>, %arg7: memref<6x128x128xf32, #tpu.memory_space<vmem>>, %arg8: memref<6x!tpu.dma_semaphore, #tpu.memory_space<semaphore_mem>>, %arg9: memref<6x!tpu.dma_semaphore, #tpu.memory_space<semaphore_mem>>) attributes {dimension_semantics = [#tpu.dimension_semantics<core_parallel>, #tpu.dimension_semantics<subcore_parallel>], iteration_bounds = array<i64: 2, 16>, scalar_prefetch = 0 : i64, scratch_operands = 5 : i64, tpu.core_type = #tpu.core_type<sc_vector_subcore>, window_params = [{transform_indices = #map}, {transform_indices = #map1}, {transform_indices = #map1}]} {
    %mul3A = arith.constant 2 : i32
    %mul3A_0 = arith.muli %arg1, %mul3A : i32
    %add3A = arith.addi %mul3A_0, %arg0 : i32
    %mul3A_1 = arith.constant 50 : i32
    %mul3A_2 = arith.muli %add3A, %mul3A_1 : i32
    %mul3A_3 = arith.constant 128 : i32
    %mul3A_4 = arith.muli %mul3A_2, %mul3A_3 : i32
    %eq3A = arith.constant 0 : i32
    %eq3A_5 = arith.cmpi eq, %arg1, %eq3A : i32
    %convert_element_type3A = arith.extui %eq3A_5 : i1 to i32
    %cond3A = arith.constant 0 : i32
    %cond3A_6 = arith.cmpi ne, %convert_element_type3A, %cond3A : i32
    scf.if %cond3A_6 {
      "tpu.region"() ({
        %run_scoped3A = tpu.sem_alloc : memref<!tpu.dma_semaphore, #tpu.memory_space<semaphore_mem>>
        tpu.enqueue_dma source(%arg3 : memref<1000x128xf32, #tpu.memory_space<hbm>>) target(%arg5 : memref<1000x128xf32, #tpu.memory_space<vmem_shared>>) target_semaphore(%run_scoped3A : memref<!tpu.dma_semaphore, #tpu.memory_space<semaphore_mem>>)
        tpu.wait_dma2 semaphore(%run_scoped3A : memref<!tpu.dma_semaphore, #tpu.memory_space<semaphore_mem>>) src(%arg3 : memref<1000x128xf32, #tpu.memory_space<hbm>>) dst(%arg5 : memref<1000x128xf32, #tpu.memory_space<vmem_shared>>)
        tpu.yield
      }) : () -> ()
    } else {
    }
    "tpu.region"() ({
      %run_scoped3A = tpu.sem_alloc : memref<!tpu.dma_semaphore, #tpu.memory_space<semaphore_mem>>
      %dma_start3A_163 = arith.constant 0 : i32
      %dma_start3A_164 = arith.constant 0 : i32
      %dma_start3A_165 = tpu.memref_slice %arg2[%add3A, %dma_start3A_163, %dma_start3A_164] : memref<32x50x128xi32, #tpu.memory_space<hbm>> -> memref<1x50x128xi32, #tpu.memory_space<hbm>>
      %dma_start3A_166 = tpu.memref_squeeze %dma_start3A_165 : memref<1x50x128xi32, #tpu.memory_space<hbm>> -> memref<50x128xi32, #tpu.memory_space<hbm>>
      %dma_start3A_167 = arith.constant 0 : i32
      %dma_start3A_168 = arith.constant 0 : i32
      %dma_start3A_169 = tpu.memref_slice %arg2[%add3A, %dma_start3A_167, %dma_start3A_168] : memref<32x50x128xi32, #tpu.memory_space<hbm>> -> memref<1x50x128xi32, #tpu.memory_space<hbm>>
      %dma_start3A_170 = tpu.memref_squeeze %dma_start3A_169 : memref<1x50x128xi32, #tpu.memory_space<hbm>> -> memref<50x128xi32, #tpu.memory_space<hbm>>
      tpu.enqueue_dma source(%dma_start3A_170 : memref<50x128xi32, #tpu.memory_space<hbm>>) target(%arg6 : memref<50x128xi32, #tpu.memory_space<vmem>>) target_semaphore(%run_scoped3A : memref<!tpu.dma_semaphore, #tpu.memory_space<semaphore_mem>>)
      %dma_wait3A_171 = arith.constant 0 : i32
      %dma_wait3A_172 = arith.constant 0 : i32
      %dma_wait3A_173 = tpu.memref_slice %arg2[%add3A, %dma_wait3A_171, %dma_wait3A_172] : memref<32x50x128xi32, #tpu.memory_space<hbm>> -> memref<1x50x128xi32, #tpu.memory_space<hbm>>
      %dma_wait3A_174 = tpu.memref_squeeze %dma_wait3A_173 : memref<1x50x128xi32, #tpu.memory_space<hbm>> -> memref<50x128xi32, #tpu.memory_space<hbm>>
      %dma_wait3A_175 = arith.constant 0 : i32
      %dma_wait3A_176 = arith.constant 0 : i32
      %dma_wait3A_177 = tpu.memref_slice %arg2[%add3A, %dma_wait3A_175, %dma_wait3A_176] : memref<32x50x128xi32, #tpu.memory_space<hbm>> -> memref<1x50x128xi32, #tpu.memory_space<hbm>>
      %dma_wait3A_178 = tpu.memref_squeeze %dma_wait3A_177 : memref<1x50x128xi32, #tpu.memory_space<hbm>> -> memref<50x128xi32, #tpu.memory_space<hbm>>
      tpu.wait_dma2 semaphore(%run_scoped3A : memref<!tpu.dma_semaphore, #tpu.memory_space<semaphore_mem>>) src(%dma_wait3A_178 : memref<50x128xi32, #tpu.memory_space<hbm>>) dst(%arg6 : memref<50x128xi32, #tpu.memory_space<vmem>>)
      tpu.yield
    }) : () -> ()
    %barrier3A = arith.constant 0 : index
    tpu.barrier barrier_id(%barrier3A)
    %dma_start3A = arith.constant 0 : i32
    %dma_start3A_7 = arith.constant 0 : i32
    %dma_start3A_8 = arith.constant 0 : i32
    %dma_start3A_9 = arith.constant 0 : i32
    %dma_start3A_10 = arith.constant 0 : i32
    %dma_start3A_11 = tpu.memref_slice %arg7[%dma_start3A_7, %dma_start3A_9, %dma_start3A_10] : memref<6x128x128xf32, #tpu.memory_space<vmem>> -> memref<1x128x128xf32, #tpu.memory_space<vmem>>
    %dma_start3A_12 = tpu.memref_squeeze %dma_start3A_11 : memref<1x128x128xf32, #tpu.memory_space<vmem>> -> memref<128x128xf32, #tpu.memory_space<vmem>>
    %dma_start3A_13 = arith.constant 0 : i32
    %dma_start3A_14 = tpu.memref_slice %arg6[%dma_start3A, %dma_start3A_13] : memref<50x128xi32, #tpu.memory_space<vmem>> -> memref<1x128xi32, #tpu.memory_space<vmem>>
    %dma_start3A_15 = tpu.memref_squeeze %dma_start3A_14 : memref<1x128xi32, #tpu.memory_space<vmem>> -> memref<128xi32, #tpu.memory_space<vmem>>
    %dma_start3A_16 = arith.constant 0 : i32
    %dma_start3A_17 = arith.constant 0 : i32
    %dma_start3A_18 = tpu.memref_slice %arg5[%dma_start3A_16, %dma_start3A_17] : memref<1000x128xf32, #tpu.memory_space<vmem_shared>> -> memref<1000x128xf32, #tpu.memory_space<vmem_shared>>
    %dma_start3A_19 = tpu.memref_slice %arg8[%dma_start3A_8] : memref<6x!tpu.dma_semaphore, #tpu.memory_space<semaphore_mem>> -> memref<1x!tpu.dma_semaphore, #tpu.memory_space<semaphore_mem>>
    %dma_start3A_20 = tpu.memref_squeeze %dma_start3A_19 : memref<1x!tpu.dma_semaphore, #tpu.memory_space<semaphore_mem>> -> memref<!tpu.dma_semaphore, #tpu.memory_space<semaphore_mem>>
    tpu.enqueue_indirect_dma source(%dma_start3A_18 : memref<1000x128xf32, #tpu.memory_space<vmem_shared>>) target(%dma_start3A_12 : memref<128x128xf32, #tpu.memory_space<vmem>>) offsets(%dma_start3A_15 : memref<128xi32, #tpu.memory_space<vmem>>) semaphore(%dma_start3A_20 : memref<!tpu.dma_semaphore, #tpu.memory_space<semaphore_mem>>)
    %dma_start3A_21 = arith.constant 1 : i32
    %dma_start3A_22 = arith.constant 1 : i32
    %dma_start3A_23 = arith.constant 1 : i32
    %dma_start3A_24 = arith.constant 0 : i32
    %dma_start3A_25 = arith.constant 0 : i32
    %dma_start3A_26 = tpu.memref_slice %arg7[%dma_start3A_22, %dma_start3A_24, %dma_start3A_25] : memref<6x128x128xf32, #tpu.memory_space<vmem>> -> memref<1x128x128xf32, #tpu.memory_space<vmem>>
    %dma_start3A_27 = tpu.memref_squeeze %dma_start3A_26 : memref<1x128x128xf32, #tpu.memory_space<vmem>> -> memref<128x128xf32, #tpu.memory_space<vmem>>
    %dma_start3A_28 = arith.constant 0 : i32
    %dma_start3A_29 = tpu.memref_slice %arg6[%dma_start3A_21, %dma_start3A_28] : memref<50x128xi32, #tpu.memory_space<vmem>> -> memref<1x128xi32, #tpu.memory_space<vmem>>
    %dma_start3A_30 = tpu.memref_squeeze %dma_start3A_29 : memref<1x128xi32, #tpu.memory_space<vmem>> -> memref<128xi32, #tpu.memory_space<vmem>>
    %dma_start3A_31 = arith.constant 0 : i32
    %dma_start3A_32 = arith.constant 0 : i32
    %dma_start3A_33 = tpu.memref_slice %arg5[%dma_start3A_31, %dma_start3A_32] : memref<1000x128xf32, #tpu.memory_space<vmem_shared>> -> memref<1000x128xf32, #tpu.memory_space<vmem_shared>>
    %dma_start3A_34 = tpu.memref_slice %arg8[%dma_start3A_23] : memref<6x!tpu.dma_semaphore, #tpu.memory_space<semaphore_mem>> -> memref<1x!tpu.dma_semaphore, #tpu.memory_space<semaphore_mem>>
    %dma_start3A_35 = tpu.memref_squeeze %dma_start3A_34 : memref<1x!tpu.dma_semaphore, #tpu.memory_space<semaphore_mem>> -> memref<!tpu.dma_semaphore, #tpu.memory_space<semaphore_mem>>
    tpu.enqueue_indirect_dma source(%dma_start3A_33 : memref<1000x128xf32, #tpu.memory_space<vmem_shared>>) target(%dma_start3A_27 : memref<128x128xf32, #tpu.memory_space<vmem>>) offsets(%dma_start3A_30 : memref<128xi32, #tpu.memory_space<vmem>>) semaphore(%dma_start3A_35 : memref<!tpu.dma_semaphore, #tpu.memory_space<semaphore_mem>>)
    %dma_start3A_36 = arith.constant 2 : i32
    %dma_start3A_37 = arith.constant 2 : i32
    %dma_start3A_38 = arith.constant 2 : i32
    %dma_start3A_39 = arith.constant 0 : i32
    %dma_start3A_40 = arith.constant 0 : i32
    %dma_start3A_41 = tpu.memref_slice %arg7[%dma_start3A_37, %dma_start3A_39, %dma_start3A_40] : memref<6x128x128xf32, #tpu.memory_space<vmem>> -> memref<1x128x128xf32, #tpu.memory_space<vmem>>
    %dma_start3A_42 = tpu.memref_squeeze %dma_start3A_41 : memref<1x128x128xf32, #tpu.memory_space<vmem>> -> memref<128x128xf32, #tpu.memory_space<vmem>>
    %dma_start3A_43 = arith.constant 0 : i32
    %dma_start3A_44 = tpu.memref_slice %arg6[%dma_start3A_36, %dma_start3A_43] : memref<50x128xi32, #tpu.memory_space<vmem>> -> memref<1x128xi32, #tpu.memory_space<vmem>>
    %dma_start3A_45 = tpu.memref_squeeze %dma_start3A_44 : memref<1x128xi32, #tpu.memory_space<vmem>> -> memref<128xi32, #tpu.memory_space<vmem>>
    %dma_start3A_46 = arith.constant 0 : i32
    %dma_start3A_47 = arith.constant 0 : i32
    %dma_start3A_48 = tpu.memref_slice %arg5[%dma_start3A_46, %dma_start3A_47] : memref<1000x128xf32, #tpu.memory_space<vmem_shared>> -> memref<1000x128xf32, #tpu.memory_space<vmem_shared>>
    %dma_start3A_49 = tpu.memref_slice %arg8[%dma_start3A_38] : memref<6x!tpu.dma_semaphore, #tpu.memory_space<semaphore_mem>> -> memref<1x!tpu.dma_semaphore, #tpu.memory_space<semaphore_mem>>
    %dma_start3A_50 = tpu.memref_squeeze %dma_start3A_49 : memref<1x!tpu.dma_semaphore, #tpu.memory_space<semaphore_mem>> -> memref<!tpu.dma_semaphore, #tpu.memory_space<semaphore_mem>>
    tpu.enqueue_indirect_dma source(%dma_start3A_48 : memref<1000x128xf32, #tpu.memory_space<vmem_shared>>) target(%dma_start3A_42 : memref<128x128xf32, #tpu.memory_space<vmem>>) offsets(%dma_start3A_45 : memref<128xi32, #tpu.memory_space<vmem>>) semaphore(%dma_start3A_50 : memref<!tpu.dma_semaphore, #tpu.memory_space<semaphore_mem>>)
    %scan3A = arith.constant 0 : i32
    %scan3A_51 = arith.constant 0 : i32
    %scan3A_52 = arith.constant 50 : i32
    %scan3A_53 = arith.addi %scan3A_51, %scan3A_52 : i32
    %scan3A_54 = arith.constant 1 : i32
    scf.for %scan3A_163 = %scan3A_51 to %scan3A_53 step %scan3A_54  : i32 {
      %jit3A = arith.constant 6 : i32
      %eq3A_164 = arith.constant 0 : i32
      %eq3A_165 = arith.cmpi eq, %jit3A, %eq3A_164 : i32
      %jit3A_166 = arith.constant 1 : i32
      %select_n3A = arith.select %eq3A_165, %jit3A_166, %jit3A : i32
      %rem3A = arith.remsi %scan3A_163, %select_n3A : i32
      %ne3A = arith.constant 0 : i32
      %ne3A_167 = arith.cmpi ne, %rem3A, %ne3A : i32
      %lt3A = arith.constant 0 : i32
      %lt3A_168 = arith.cmpi slt, %rem3A, %lt3A : i32
      %lt3A_169 = arith.constant 0 : i32
      %lt3A_170 = arith.cmpi slt, %select_n3A, %lt3A_169 : i32
      %ne3A_171 = arith.xori %lt3A_168, %lt3A_170 : i1
      %and3A = arith.andi %ne3A_171, %ne3A_167 : i1
      %add3A_172 = arith.addi %rem3A, %select_n3A : i32
      %select_n3A_173 = arith.select %and3A, %add3A_172, %rem3A : i32
      %add3A_174 = arith.constant 3 : i32
      %add3A_175 = arith.addi %scan3A_163, %add3A_174 : i32
      %jit3A_176 = arith.constant 6 : i32
      %eq3A_177 = arith.constant 0 : i32
      %eq3A_178 = arith.cmpi eq, %jit3A_176, %eq3A_177 : i32
      %jit3A_179 = arith.constant 1 : i32
      %select_n3A_180 = arith.select %eq3A_178, %jit3A_179, %jit3A_176 : i32
      %rem3A_181 = arith.remsi %add3A_175, %select_n3A_180 : i32
      %ne3A_182 = arith.constant 0 : i32
      %ne3A_183 = arith.cmpi ne, %rem3A_181, %ne3A_182 : i32
      %lt3A_184 = arith.constant 0 : i32
      %lt3A_185 = arith.cmpi slt, %rem3A_181, %lt3A_184 : i32
      %lt3A_186 = arith.constant 0 : i32
      %lt3A_187 = arith.cmpi slt, %select_n3A_180, %lt3A_186 : i32
      %ne3A_188 = arith.xori %lt3A_185, %lt3A_187 : i1
      %and3A_189 = arith.andi %ne3A_188, %ne3A_183 : i1
      %add3A_190 = arith.addi %rem3A_181, %select_n3A_180 : i32
      %select_n3A_191 = arith.select %and3A_189, %add3A_190, %rem3A_181 : i32
      %dma_wait3A_192 = arith.constant 0 : i32
      %dma_wait3A_193 = arith.constant 0 : i32
      %dma_wait3A_194 = tpu.memref_slice %arg7[%select_n3A_173, %dma_wait3A_192, %dma_wait3A_193] : memref<6x128x128xf32, #tpu.memory_space<vmem>> -> memref<1x128x128xf32, #tpu.memory_space<vmem>>
      %dma_wait3A_195 = tpu.memref_squeeze %dma_wait3A_194 : memref<1x128x128xf32, #tpu.memory_space<vmem>> -> memref<128x128xf32, #tpu.memory_space<vmem>>
      %dma_wait3A_196 = arith.constant 0 : i32
      %dma_wait3A_197 = tpu.memref_slice %arg6[%scan3A_163, %dma_wait3A_196] : memref<50x128xi32, #tpu.memory_space<vmem>> -> memref<1x128xi32, #tpu.memory_space<vmem>>
      %dma_wait3A_198 = tpu.memref_squeeze %dma_wait3A_197 : memref<1x128xi32, #tpu.memory_space<vmem>> -> memref<128xi32, #tpu.memory_space<vmem>>
      %dma_wait3A_199 = arith.constant 0 : i32
      %dma_wait3A_200 = arith.constant 0 : i32
      %dma_wait3A_201 = tpu.memref_slice %arg5[%dma_wait3A_199, %dma_wait3A_200] : memref<1000x128xf32, #tpu.memory_space<vmem_shared>> -> memref<1000x128xf32, #tpu.memory_space<vmem_shared>>
      %dma_wait3A_202 = tpu.memref_slice %arg8[%select_n3A_173] : memref<6x!tpu.dma_semaphore, #tpu.memory_space<semaphore_mem>> -> memref<1x!tpu.dma_semaphore, #tpu.memory_space<semaphore_mem>>
      %dma_wait3A_203 = tpu.memref_squeeze %dma_wait3A_202 : memref<1x!tpu.dma_semaphore, #tpu.memory_space<semaphore_mem>> -> memref<!tpu.dma_semaphore, #tpu.memory_space<semaphore_mem>>
      tpu.wait_indirect_dma semaphore(%dma_wait3A_203 : memref<!tpu.dma_semaphore, #tpu.memory_space<semaphore_mem>>) src(%dma_wait3A_201 : memref<1000x128xf32, #tpu.memory_space<vmem_shared>>) dst(%dma_wait3A_195 : memref<128x128xf32, #tpu.memory_space<vmem>>)
      %mul3A_204 = arith.constant 128 : i32
      %mul3A_205 = arith.muli %scan3A_163, %mul3A_204 : i32
      %add3A_206 = arith.addi %mul3A_4, %mul3A_205 : i32
      %dma_start3A_207 = arith.constant 0 : i32
      %dma_start3A_208 = arith.constant 0 : i32
      %dma_start3A_209 = tpu.memref_slice %arg7[%select_n3A_173, %dma_start3A_207, %dma_start3A_208] : memref<6x128x128xf32, #tpu.memory_space<vmem>> -> memref<1x128x128xf32, #tpu.memory_space<vmem>>
      %dma_start3A_210 = tpu.memref_squeeze %dma_start3A_209 : memref<1x128x128xf32, #tpu.memory_space<vmem>> -> memref<128x128xf32, #tpu.memory_space<vmem>>
      %dma_start3A_211 = arith.constant 0 : i32
      %dma_start3A_212 = tpu.memref_slice %arg4[%add3A_206, %dma_start3A_211] : memref<204800x128xf32, #tpu.memory_space<hbm>> -> memref<128x128xf32, #tpu.memory_space<hbm>>
      %dma_start3A_213 = tpu.memref_slice %arg9[%select_n3A_173] : memref<6x!tpu.dma_semaphore, #tpu.memory_space<semaphore_mem>> -> memref<1x!tpu.dma_semaphore, #tpu.memory_space<semaphore_mem>>
      %dma_start3A_214 = tpu.memref_squeeze %dma_start3A_213 : memref<1x!tpu.dma_semaphore, #tpu.memory_space<semaphore_mem>> -> memref<!tpu.dma_semaphore, #tpu.memory_space<semaphore_mem>>
      %dma_start3A_215 = arith.constant 0 : i32
      %dma_start3A_216 = tpu.memref_slice %arg4[%add3A_206, %dma_start3A_215] : memref<204800x128xf32, #tpu.memory_space<hbm>> -> memref<128x128xf32, #tpu.memory_space<hbm>>
      %dma_start3A_217 = arith.constant 0 : i32
      %dma_start3A_218 = arith.constant 0 : i32
      %dma_start3A_219 = tpu.memref_slice %arg7[%select_n3A_173, %dma_start3A_217, %dma_start3A_218] : memref<6x128x128xf32, #tpu.memory_space<vmem>> -> memref<1x128x128xf32, #tpu.memory_space<vmem>>
      %dma_start3A_220 = tpu.memref_squeeze %dma_start3A_219 : memref<1x128x128xf32, #tpu.memory_space<vmem>> -> memref<128x128xf32, #tpu.memory_space<vmem>>
      tpu.enqueue_dma source(%dma_start3A_220 : memref<128x128xf32, #tpu.memory_space<vmem>>) target(%dma_start3A_216 : memref<128x128xf32, #tpu.memory_space<hbm>>) target_semaphore(%dma_start3A_214 : memref<!tpu.dma_semaphore, #tpu.memory_space<semaphore_mem>>)
      %add3A_221 = arith.constant 3 : i32
      %add3A_222 = arith.addi %scan3A_163, %add3A_221 : i32
      %lt3A_223 = arith.constant 50 : i32
      %lt3A_224 = arith.cmpi slt, %add3A_222, %lt3A_223 : i32
      %convert_element_type3A_225 = arith.extui %lt3A_224 : i1 to i32
      %cond3A_226 = arith.constant 0 : i32
      %cond3A_227 = arith.cmpi ne, %convert_element_type3A_225, %cond3A_226 : i32
      scf.if %cond3A_227 {
        %add3A_228 = arith.constant 3 : i32
        %add3A_229 = arith.addi %scan3A_163, %add3A_228 : i32
        %ge3A = arith.constant 6 : i32
        %ge3A_230 = arith.cmpi sge, %add3A_229, %ge3A : i32
        %convert_element_type3A_231 = arith.extui %ge3A_230 : i1 to i32
        %cond3A_232 = arith.constant 0 : i32
        %cond3A_233 = arith.cmpi ne, %convert_element_type3A_231, %cond3A_232 : i32
        scf.if %cond3A_233 {
          %add3A_248 = arith.constant 3 : i32
          %add3A_249 = arith.addi %scan3A_163, %add3A_248 : i32
          %sub3A = arith.constant 6 : i32
          %sub3A_250 = arith.subi %add3A_249, %sub3A : i32
          %mul3A_251 = arith.constant 128 : i32
          %mul3A_252 = arith.muli %sub3A_250, %mul3A_251 : i32
          %add3A_253 = arith.addi %mul3A_4, %mul3A_252 : i32
          %dma_wait3A_254 = arith.constant 0 : i32
          %dma_wait3A_255 = arith.constant 0 : i32
          %dma_wait3A_256 = tpu.memref_slice %arg7[%select_n3A_191, %dma_wait3A_254, %dma_wait3A_255] : memref<6x128x128xf32, #tpu.memory_space<vmem>> -> memref<1x128x128xf32, #tpu.memory_space<vmem>>
          %dma_wait3A_257 = tpu.memref_squeeze %dma_wait3A_256 : memref<1x128x128xf32, #tpu.memory_space<vmem>> -> memref<128x128xf32, #tpu.memory_space<vmem>>
          %dma_wait3A_258 = arith.constant 0 : i32
          %dma_wait3A_259 = tpu.memref_slice %arg4[%add3A_253, %dma_wait3A_258] : memref<204800x128xf32, #tpu.memory_space<hbm>> -> memref<128x128xf32, #tpu.memory_space<hbm>>
          %dma_wait3A_260 = tpu.memref_slice %arg9[%select_n3A_191] : memref<6x!tpu.dma_semaphore, #tpu.memory_space<semaphore_mem>> -> memref<1x!tpu.dma_semaphore, #tpu.memory_space<semaphore_mem>>
          %dma_wait3A_261 = tpu.memref_squeeze %dma_wait3A_260 : memref<1x!tpu.dma_semaphore, #tpu.memory_space<semaphore_mem>> -> memref<!tpu.dma_semaphore, #tpu.memory_space<semaphore_mem>>
          %dma_wait3A_262 = arith.constant 0 : i32
          %dma_wait3A_263 = tpu.memref_slice %arg4[%add3A_253, %dma_wait3A_262] : memref<204800x128xf32, #tpu.memory_space<hbm>> -> memref<128x128xf32, #tpu.memory_space<hbm>>
          %dma_wait3A_264 = arith.constant 0 : i32
          %dma_wait3A_265 = arith.constant 0 : i32
          %dma_wait3A_266 = tpu.memref_slice %arg7[%select_n3A_191, %dma_wait3A_264, %dma_wait3A_265] : memref<6x128x128xf32, #tpu.memory_space<vmem>> -> memref<1x128x128xf32, #tpu.memory_space<vmem>>
          %dma_wait3A_267 = tpu.memref_squeeze %dma_wait3A_266 : memref<1x128x128xf32, #tpu.memory_space<vmem>> -> memref<128x128xf32, #tpu.memory_space<vmem>>
          tpu.wait_dma2 semaphore(%dma_wait3A_261 : memref<!tpu.dma_semaphore, #tpu.memory_space<semaphore_mem>>) src(%dma_wait3A_267 : memref<128x128xf32, #tpu.memory_space<vmem>>) dst(%dma_wait3A_263 : memref<128x128xf32, #tpu.memory_space<hbm>>)
        } else {
        }
        %add3A_234 = arith.constant 3 : i32
        %add3A_235 = arith.addi %scan3A_163, %add3A_234 : i32
        %dma_start3A_236 = arith.constant 0 : i32
        %dma_start3A_237 = arith.constant 0 : i32
        %dma_start3A_238 = tpu.memref_slice %arg7[%select_n3A_191, %dma_start3A_236, %dma_start3A_237] : memref<6x128x128xf32, #tpu.memory_space<vmem>> -> memref<1x128x128xf32, #tpu.memory_space<vmem>>
        %dma_start3A_239 = tpu.memref_squeeze %dma_start3A_238 : memref<1x128x128xf32, #tpu.memory_space<vmem>> -> memref<128x128xf32, #tpu.memory_space<vmem>>
        %dma_start3A_240 = arith.constant 0 : i32
        %dma_start3A_241 = tpu.memref_slice %arg6[%add3A_235, %dma_start3A_240] : memref<50x128xi32, #tpu.memory_space<vmem>> -> memref<1x128xi32, #tpu.memory_space<vmem>>
        %dma_start3A_242 = tpu.memref_squeeze %dma_start3A_241 : memref<1x128xi32, #tpu.memory_space<vmem>> -> memref<128xi32, #tpu.memory_space<vmem>>
        %dma_start3A_243 = arith.constant 0 : i32
        %dma_start3A_244 = arith.constant 0 : i32
        %dma_start3A_245 = tpu.memref_slice %arg5[%dma_start3A_243, %dma_start3A_244] : memref<1000x128xf32, #tpu.memory_space<vmem_shared>> -> memref<1000x128xf32, #tpu.memory_space<vmem_shared>>
        %dma_start3A_246 = tpu.memref_slice %arg8[%select_n3A_191] : memref<6x!tpu.dma_semaphore, #tpu.memory_space<semaphore_mem>> -> memref<1x!tpu.dma_semaphore, #tpu.memory_space<semaphore_mem>>
        %dma_start3A_247 = tpu.memref_squeeze %dma_start3A_246 : memref<1x!tpu.dma_semaphore, #tpu.memory_space<semaphore_mem>> -> memref<!tpu.dma_semaphore, #tpu.memory_space<semaphore_mem>>
        tpu.enqueue_indirect_dma source(%dma_start3A_245 : memref<1000x128xf32, #tpu.memory_space<vmem_shared>>) target(%dma_start3A_239 : memref<128x128xf32, #tpu.memory_space<vmem>>) offsets(%dma_start3A_242 : memref<128xi32, #tpu.memory_space<vmem>>) semaphore(%dma_start3A_247 : memref<!tpu.dma_semaphore, #tpu.memory_space<semaphore_mem>>)
      } else {
      }
    }
    %scan3A_55 = arith.constant 50 : i32
    %add3A_56 = arith.constant 5632 : i32
    %add3A_57 = arith.addi %mul3A_4, %add3A_56 : i32
    %dma_wait3A = arith.constant 2 : i32
    %dma_wait3A_58 = arith.constant 2 : i32
    %dma_wait3A_59 = arith.constant 0 : i32
    %dma_wait3A_60 = arith.constant 0 : i32
    %dma_wait3A_61 = tpu.memref_slice %arg7[%dma_wait3A, %dma_wait3A_59, %dma_wait3A_60] : memref<6x128x128xf32, #tpu.memory_space<vmem>> -> memref<1x128x128xf32, #tpu.memory_space<vmem>>
    %dma_wait3A_62 = tpu.memref_squeeze %dma_wait3A_61 : memref<1x128x128xf32, #tpu.memory_space<vmem>> -> memref<128x128xf32, #tpu.memory_space<vmem>>
    %dma_wait3A_63 = arith.constant 0 : i32
    %dma_wait3A_64 = tpu.memref_slice %arg4[%add3A_57, %dma_wait3A_63] : memref<204800x128xf32, #tpu.memory_space<hbm>> -> memref<128x128xf32, #tpu.memory_space<hbm>>
    %dma_wait3A_65 = tpu.memref_slice %arg9[%dma_wait3A_58] : memref<6x!tpu.dma_semaphore, #tpu.memory_space<semaphore_mem>> -> memref<1x!tpu.dma_semaphore, #tpu.memory_space<semaphore_mem>>
    %dma_wait3A_66 = tpu.memref_squeeze %dma_wait3A_65 : memref<1x!tpu.dma_semaphore, #tpu.memory_space<semaphore_mem>> -> memref<!tpu.dma_semaphore, #tpu.memory_space<semaphore_mem>>
    %dma_wait3A_67 = arith.constant 0 : i32
    %dma_wait3A_68 = tpu.memref_slice %arg4[%add3A_57, %dma_wait3A_67] : memref<204800x128xf32, #tpu.memory_space<hbm>> -> memref<128x128xf32, #tpu.memory_space<hbm>>
    %dma_wait3A_69 = arith.constant 0 : i32
    %dma_wait3A_70 = arith.constant 0 : i32
    %dma_wait3A_71 = tpu.memref_slice %arg7[%dma_wait3A, %dma_wait3A_69, %dma_wait3A_70] : memref<6x128x128xf32, #tpu.memory_space<vmem>> -> memref<1x128x128xf32, #tpu.memory_space<vmem>>
    %dma_wait3A_72 = tpu.memref_squeeze %dma_wait3A_71 : memref<1x128x128xf32, #tpu.memory_space<vmem>> -> memref<128x128xf32, #tpu.memory_space<vmem>>
    tpu.wait_dma2 semaphore(%dma_wait3A_66 : memref<!tpu.dma_semaphore, #tpu.memory_space<semaphore_mem>>) src(%dma_wait3A_72 : memref<128x128xf32, #tpu.memory_space<vmem>>) dst(%dma_wait3A_68 : memref<128x128xf32, #tpu.memory_space<hbm>>)
    %add3A_73 = arith.constant 5760 : i32
    %add3A_74 = arith.addi %mul3A_4, %add3A_73 : i32
    %dma_wait3A_75 = arith.constant 3 : i32
    %dma_wait3A_76 = arith.constant 3 : i32
    %dma_wait3A_77 = arith.constant 0 : i32
    %dma_wait3A_78 = arith.constant 0 : i32
    %dma_wait3A_79 = tpu.memref_slice %arg7[%dma_wait3A_75, %dma_wait3A_77, %dma_wait3A_78] : memref<6x128x128xf32, #tpu.memory_space<vmem>> -> memref<1x128x128xf32, #tpu.memory_space<vmem>>
    %dma_wait3A_80 = tpu.memref_squeeze %dma_wait3A_79 : memref<1x128x128xf32, #tpu.memory_space<vmem>> -> memref<128x128xf32, #tpu.memory_space<vmem>>
    %dma_wait3A_81 = arith.constant 0 : i32
    %dma_wait3A_82 = tpu.memref_slice %arg4[%add3A_74, %dma_wait3A_81] : memref<204800x128xf32, #tpu.memory_space<hbm>> -> memref<128x128xf32, #tpu.memory_space<hbm>>
    %dma_wait3A_83 = tpu.memref_slice %arg9[%dma_wait3A_76] : memref<6x!tpu.dma_semaphore, #tpu.memory_space<semaphore_mem>> -> memref<1x!tpu.dma_semaphore, #tpu.memory_space<semaphore_mem>>
    %dma_wait3A_84 = tpu.memref_squeeze %dma_wait3A_83 : memref<1x!tpu.dma_semaphore, #tpu.memory_space<semaphore_mem>> -> memref<!tpu.dma_semaphore, #tpu.memory_space<semaphore_mem>>
    %dma_wait3A_85 = arith.constant 0 : i32
    %dma_wait3A_86 = tpu.memref_slice %arg4[%add3A_74, %dma_wait3A_85] : memref<204800x128xf32, #tpu.memory_space<hbm>> -> memref<128x128xf32, #tpu.memory_space<hbm>>
    %dma_wait3A_87 = arith.constant 0 : i32
    %dma_wait3A_88 = arith.constant 0 : i32
    %dma_wait3A_89 = tpu.memref_slice %arg7[%dma_wait3A_75, %dma_wait3A_87, %dma_wait3A_88] : memref<6x128x128xf32, #tpu.memory_space<vmem>> -> memref<1x128x128xf32, #tpu.memory_space<vmem>>
    %dma_wait3A_90 = tpu.memref_squeeze %dma_wait3A_89 : memref<1x128x128xf32, #tpu.memory_space<vmem>> -> memref<128x128xf32, #tpu.memory_space<vmem>>
    tpu.wait_dma2 semaphore(%dma_wait3A_84 : memref<!tpu.dma_semaphore, #tpu.memory_space<semaphore_mem>>) src(%dma_wait3A_90 : memref<128x128xf32, #tpu.memory_space<vmem>>) dst(%dma_wait3A_86 : memref<128x128xf32, #tpu.memory_space<hbm>>)
    %add3A_91 = arith.constant 5888 : i32
    %add3A_92 = arith.addi %mul3A_4, %add3A_91 : i32
    %dma_wait3A_93 = arith.constant 4 : i32
    %dma_wait3A_94 = arith.constant 4 : i32
    %dma_wait3A_95 = arith.constant 0 : i32
    %dma_wait3A_96 = arith.constant 0 : i32
    %dma_wait3A_97 = tpu.memref_slice %arg7[%dma_wait3A_93, %dma_wait3A_95, %dma_wait3A_96] : memref<6x128x128xf32, #tpu.memory_space<vmem>> -> memref<1x128x128xf32, #tpu.memory_space<vmem>>
    %dma_wait3A_98 = tpu.memref_squeeze %dma_wait3A_97 : memref<1x128x128xf32, #tpu.memory_space<vmem>> -> memref<128x128xf32, #tpu.memory_space<vmem>>
    %dma_wait3A_99 = arith.constant 0 : i32
    %dma_wait3A_100 = tpu.memref_slice %arg4[%add3A_92, %dma_wait3A_99] : memref<204800x128xf32, #tpu.memory_space<hbm>> -> memref<128x128xf32, #tpu.memory_space<hbm>>
    %dma_wait3A_101 = tpu.memref_slice %arg9[%dma_wait3A_94] : memref<6x!tpu.dma_semaphore, #tpu.memory_space<semaphore_mem>> -> memref<1x!tpu.dma_semaphore, #tpu.memory_space<semaphore_mem>>
    %dma_wait3A_102 = tpu.memref_squeeze %dma_wait3A_101 : memref<1x!tpu.dma_semaphore, #tpu.memory_space<semaphore_mem>> -> memref<!tpu.dma_semaphore, #tpu.memory_space<semaphore_mem>>
    %dma_wait3A_103 = arith.constant 0 : i32
    %dma_wait3A_104 = tpu.memref_slice %arg4[%add3A_92, %dma_wait3A_103] : memref<204800x128xf32, #tpu.memory_space<hbm>> -> memref<128x128xf32, #tpu.memory_space<hbm>>
    %dma_wait3A_105 = arith.constant 0 : i32
    %dma_wait3A_106 = arith.constant 0 : i32
    %dma_wait3A_107 = tpu.memref_slice %arg7[%dma_wait3A_93, %dma_wait3A_105, %dma_wait3A_106] : memref<6x128x128xf32, #tpu.memory_space<vmem>> -> memref<1x128x128xf32, #tpu.memory_space<vmem>>
    %dma_wait3A_108 = tpu.memref_squeeze %dma_wait3A_107 : memref<1x128x128xf32, #tpu.memory_space<vmem>> -> memref<128x128xf32, #tpu.memory_space<vmem>>
    tpu.wait_dma2 semaphore(%dma_wait3A_102 : memref<!tpu.dma_semaphore, #tpu.memory_space<semaphore_mem>>) src(%dma_wait3A_108 : memref<128x128xf32, #tpu.memory_space<vmem>>) dst(%dma_wait3A_104 : memref<128x128xf32, #tpu.memory_space<hbm>>)
    %add3A_109 = arith.constant 6016 : i32
    %add3A_110 = arith.addi %mul3A_4, %add3A_109 : i32
    %dma_wait3A_111 = arith.constant 5 : i32
    %dma_wait3A_112 = arith.constant 5 : i32
    %dma_wait3A_113 = arith.constant 0 : i32
    %dma_wait3A_114 = arith.constant 0 : i32
    %dma_wait3A_115 = tpu.memref_slice %arg7[%dma_wait3A_111, %dma_wait3A_113, %dma_wait3A_114] : memref<6x128x128xf32, #tpu.memory_space<vmem>> -> memref<1x128x128xf32, #tpu.memory_space<vmem>>
    %dma_wait3A_116 = tpu.memref_squeeze %dma_wait3A_115 : memref<1x128x128xf32, #tpu.memory_space<vmem>> -> memref<128x128xf32, #tpu.memory_space<vmem>>
    %dma_wait3A_117 = arith.constant 0 : i32
    %dma_wait3A_118 = tpu.memref_slice %arg4[%add3A_110, %dma_wait3A_117] : memref<204800x128xf32, #tpu.memory_space<hbm>> -> memref<128x128xf32, #tpu.memory_space<hbm>>
    %dma_wait3A_119 = tpu.memref_slice %arg9[%dma_wait3A_112] : memref<6x!tpu.dma_semaphore, #tpu.memory_space<semaphore_mem>> -> memref<1x!tpu.dma_semaphore, #tpu.memory_space<semaphore_mem>>
    %dma_wait3A_120 = tpu.memref_squeeze %dma_wait3A_119 : memref<1x!tpu.dma_semaphore, #tpu.memory_space<semaphore_mem>> -> memref<!tpu.dma_semaphore, #tpu.memory_space<semaphore_mem>>
    %dma_wait3A_121 = arith.constant 0 : i32
    %dma_wait3A_122 = tpu.memref_slice %arg4[%add3A_110, %dma_wait3A_121] : memref<204800x128xf32, #tpu.memory_space<hbm>> -> memref<128x128xf32, #tpu.memory_space<hbm>>
    %dma_wait3A_123 = arith.constant 0 : i32
    %dma_wait3A_124 = arith.constant 0 : i32
    %dma_wait3A_125 = tpu.memref_slice %arg7[%dma_wait3A_111, %dma_wait3A_123, %dma_wait3A_124] : memref<6x128x128xf32, #tpu.memory_space<vmem>> -> memref<1x128x128xf32, #tpu.memory_space<vmem>>
    %dma_wait3A_126 = tpu.memref_squeeze %dma_wait3A_125 : memref<1x128x128xf32, #tpu.memory_space<vmem>> -> memref<128x128xf32, #tpu.memory_space<vmem>>
    tpu.wait_dma2 semaphore(%dma_wait3A_120 : memref<!tpu.dma_semaphore, #tpu.memory_space<semaphore_mem>>) src(%dma_wait3A_126 : memref<128x128xf32, #tpu.memory_space<vmem>>) dst(%dma_wait3A_122 : memref<128x128xf32, #tpu.memory_space<hbm>>)
    %add3A_127 = arith.constant 6144 : i32
    %add3A_128 = arith.addi %mul3A_4, %add3A_127 : i32
    %dma_wait3A_129 = arith.constant 0 : i32
    %dma_wait3A_130 = arith.constant 0 : i32
    %dma_wait3A_131 = arith.constant 0 : i32
    %dma_wait3A_132 = arith.constant 0 : i32
    %dma_wait3A_133 = tpu.memref_slice %arg7[%dma_wait3A_129, %dma_wait3A_131, %dma_wait3A_132] : memref<6x128x128xf32, #tpu.memory_space<vmem>> -> memref<1x128x128xf32, #tpu.memory_space<vmem>>
    %dma_wait3A_134 = tpu.memref_squeeze %dma_wait3A_133 : memref<1x128x128xf32, #tpu.memory_space<vmem>> -> memref<128x128xf32, #tpu.memory_space<vmem>>
    %dma_wait3A_135 = arith.constant 0 : i32
    %dma_wait3A_136 = tpu.memref_slice %arg4[%add3A_128, %dma_wait3A_135] : memref<204800x128xf32, #tpu.memory_space<hbm>> -> memref<128x128xf32, #tpu.memory_space<hbm>>
    %dma_wait3A_137 = tpu.memref_slice %arg9[%dma_wait3A_130] : memref<6x!tpu.dma_semaphore, #tpu.memory_space<semaphore_mem>> -> memref<1x!tpu.dma_semaphore, #tpu.memory_space<semaphore_mem>>
    %dma_wait3A_138 = tpu.memref_squeeze %dma_wait3A_137 : memref<1x!tpu.dma_semaphore, #tpu.memory_space<semaphore_mem>> -> memref<!tpu.dma_semaphore, #tpu.memory_space<semaphore_mem>>
    %dma_wait3A_139 = arith.constant 0 : i32
    %dma_wait3A_140 = tpu.memref_slice %arg4[%add3A_128, %dma_wait3A_139] : memref<204800x128xf32, #tpu.memory_space<hbm>> -> memref<128x128xf32, #tpu.memory_space<hbm>>
    %dma_wait3A_141 = arith.constant 0 : i32
    %dma_wait3A_142 = arith.constant 0 : i32
    %dma_wait3A_143 = tpu.memref_slice %arg7[%dma_wait3A_129, %dma_wait3A_141, %dma_wait3A_142] : memref<6x128x128xf32, #tpu.memory_space<vmem>> -> memref<1x128x128xf32, #tpu.memory_space<vmem>>
    %dma_wait3A_144 = tpu.memref_squeeze %dma_wait3A_143 : memref<1x128x128xf32, #tpu.memory_space<vmem>> -> memref<128x128xf32, #tpu.memory_space<vmem>>
    tpu.wait_dma2 semaphore(%dma_wait3A_138 : memref<!tpu.dma_semaphore, #tpu.memory_space<semaphore_mem>>) src(%dma_wait3A_144 : memref<128x128xf32, #tpu.memory_space<vmem>>) dst(%dma_wait3A_140 : memref<128x128xf32, #tpu.memory_space<hbm>>)
    %add3A_145 = arith.constant 6272 : i32
    %add3A_146 = arith.addi %mul3A_4, %add3A_145 : i32
    %dma_wait3A_147 = arith.constant 1 : i32
    %dma_wait3A_148 = arith.constant 1 : i32
    %dma_wait3A_149 = arith.constant 0 : i32
    %dma_wait3A_150 = arith.constant 0 : i32
    %dma_wait3A_151 = tpu.memref_slice %arg7[%dma_wait3A_147, %dma_wait3A_149, %dma_wait3A_150] : memref<6x128x128xf32, #tpu.memory_space<vmem>> -> memref<1x128x128xf32, #tpu.memory_space<vmem>>
    %dma_wait3A_152 = tpu.memref_squeeze %dma_wait3A_151 : memref<1x128x128xf32, #tpu.memory_space<vmem>> -> memref<128x128xf32, #tpu.memory_space<vmem>>
    %dma_wait3A_153 = arith.constant 0 : i32
    %dma_wait3A_154 = tpu.memref_slice %arg4[%add3A_146, %dma_wait3A_153] : memref<204800x128xf32, #tpu.memory_space<hbm>> -> memref<128x128xf32, #tpu.memory_space<hbm>>
    %dma_wait3A_155 = tpu.memref_slice %arg9[%dma_wait3A_148] : memref<6x!tpu.dma_semaphore, #tpu.memory_space<semaphore_mem>> -> memref<1x!tpu.dma_semaphore, #tpu.memory_space<semaphore_mem>>
    %dma_wait3A_156 = tpu.memref_squeeze %dma_wait3A_155 : memref<1x!tpu.dma_semaphore, #tpu.memory_space<semaphore_mem>> -> memref<!tpu.dma_semaphore, #tpu.memory_space<semaphore_mem>>
    %dma_wait3A_157 = arith.constant 0 : i32
    %dma_wait3A_158 = tpu.memref_slice %arg4[%add3A_146, %dma_wait3A_157] : memref<204800x128xf32, #tpu.memory_space<hbm>> -> memref<128x128xf32, #tpu.memory_space<hbm>>
    %dma_wait3A_159 = arith.constant 0 : i32
    %dma_wait3A_160 = arith.constant 0 : i32
    %dma_wait3A_161 = tpu.memref_slice %arg7[%dma_wait3A_147, %dma_wait3A_159, %dma_wait3A_160] : memref<6x128x128xf32, #tpu.memory_space<vmem>> -> memref<1x128x128xf32, #tpu.memory_space<vmem>>
    %dma_wait3A_162 = tpu.memref_squeeze %dma_wait3A_161 : memref<1x128x128xf32, #tpu.memory_space<vmem>> -> memref<128x128xf32, #tpu.memory_space<vmem>>
    tpu.wait_dma2 semaphore(%dma_wait3A_156 : memref<!tpu.dma_semaphore, #tpu.memory_space<semaphore_mem>>) src(%dma_wait3A_162 : memref<128x128xf32, #tpu.memory_space<vmem>>) dst(%dma_wait3A_158 : memref<128x128xf32, #tpu.memory_space<hbm>>)
    return
  }
}

</mosaic_0001>

<sc_bundles>
// kernel: kernel.3.cloned.1.call-start
scs
__scs_entry_jumppad:
0x0: {  	(pc) =	sbr.rel $0x88, $3  }
0x1: {  	(tag) =	ssettag $0x0;
	lr =	simm.s32 $0x1  }
0x2: {  	[smem:$0x3F9F] =	sst lr;
	_ =	strace $0xD0000000  }
0x3: {  	_ = 	snop  }
0x4: {  	_ = 	snop  }
0x5: {  	_ = 	snop  }
0x6: {  	_ = 	snop  }
0x7: {  	_ = 	snop  }
__scs_overlays_trampoline_lowered:
0x8: {  	[smem:$0x3FAE] =	sst s0  }
0x9: {  	[smem:$0x3FAF] =	sst s1  }
0xa: {  	[smem:$0x3FB0] =	sst s2  }
0xb: {  	[smem:$0x3FB1] =	sst s3  }
0xc: {  	[smem:$0x3FB2] =	sst s4  }
0xd: {  	[smem:$0x3FB3] =	sst s5  }
0xe: {  	[smem:$0x3FB4] =	sst s6  }
0xf: {  	[smem:$0x3FB5] =	sst s7  }
0x10: {  	[smem:$0x3FB6] =	sst s8  }
0x11: {  	[smem:$0x3FB7] =	sst s9;
	s0 =	simm.s32 @!p0 $0x0  }
0x12: {  	s1 =	sld [smem:$0x3F9D];
	s0 =	simm.s32 @p0 $0x1  }
0x13: {  	[smem:$0x3FB8] =	sst s0;
	s0 =	simm.s32 @!p1 $0x0  }
0x14: {  	s2 =	sld [smem:$0x3F9C];
	s0 =	simm.s32 @p1 $0x1  }
0x15: {  	[smem:$0x3FB9] =	sst s0;
	s0 =	simm.s32 @!p2 $0x0  }
0x16: {  	s3 =	sld [smem:$0x3FDB];
	s0 =	simm.s32 @p2 $0x1  }
0x17: {  	s4 =	simm.s32 $0x1BF5;
	[smem:$0x3FBB] =	sst s0  }
0x18: {  	s0 =	sld [smem:$0x3F9E];
	_ =	swait.ge [sflag:s4], $0x0  }
0x19: {  	s7 =	sld [smem:$0x3F9F]  }
0x1a: {  	s8 =	sadd.s32 $0xFFFFE003, lr  }
0x1b: {  	s9 =	sadd.s32 $0xFFFFFEF7, lr;
	s5 =	simm.s32 $0xFFFFFFFF;
	p2 =	slt.u32 s8, $0xFFFFF086  }
0x1c: {  	p1 =	slt.u32 s9, $0xF7A;
	s5 =	simm.s32 @!p2 $0x0  }
0x1d: {  	s5 =	simm.s32 @p1 $0x1;
	p0 =	seq.s32 s7, s2  }
0x1e: {  	s7 =	smul.u32 @!p0 $0xF7A, s2;
	p2 =	seq.s32 @!p0 s5, $0x0  }
0x1f: {  	s9 =	smul.u32 $0xF7A, s1;
	s8 =	simm.s32 @!p0 $0x1BF5;
	p2 =	por !p2, p0  }
0x20: {  	[sflag:s8] =	ssyncset.s32 @!p0 $0xFFFFF086;
	s6 =	sadd.s32 @!p0 s3, s7;
	s7 =	simm.s32 @!p0 $0x108  }
0x21: {  	s3 =	sadd.s32 s3, s9;
	s6 =	sadd.s32 @!p0 $0x88, s6;
	s7 =	simm.s32 @p2 $0x1082  }
0x22: {  	[simem:s7], [sflag:s8] =	dma.local @!p0 [hbm:s6], $0xF7A  }
0x23: {  	s9 =	sor.u32 $0xD0000000, s2;
	s6 =	simm.s32 $0x108;
	_ =	swait.ge @!p0 [sflag:s8], $0x0  }
0x24: {  	s3 =	sadd.s32 $0x88, s3;
	s6 =	simm.s32 @!p1 $0x1082;
	[sflag:s4] =	ssyncset.s32 $0xFFFFF086  }
0x25: {  	[simem:s6], [sflag:s4] =	dma.local [hbm:s3], $0xF7A  }
0x26: {  	[smem:$0x3F9F] =	sst s1;
	(tag) =	ssettag s2;
	_ =	strace s9  }
0x27: {  	s1 =	sld [smem:$0x3FAF]  }
0x28: {  	s2 =	sld [smem:$0x3FB0]  }
0x29: {  	s4 =	sld [smem:$0x3FB2]  }
0x2a: {  	p0 =	seq.s32 s5, $0x0;
	s5 =	sld [smem:$0x3FB3]  }
0x2b: {  	s6 =	sld [smem:$0x3FB4]  }
0x2c: {  	s7 =	sld [smem:$0x3FB5]  }
0x2d: {  	s3 =	simm.s32 $0x108;
	s8 =	sld [smem:$0x3FB6]  }
0x2e: {  	s3 =	simm.s32 @!p0 $0x1082;
	s9 =	sld [smem:$0x3FB7]  }
0x2f: {  	lr =	sadd.s32 s0, s3;
	s0 =	sld [smem:$0x3FAE]  }
0x30: {  	s3 =	sld [smem:$0x3FB1]  }
0x31: {  	[smem:$0x3FBA] =	sst s10  }
0x32: {  	s10 =	sld [smem:$0x3FB8];
	_ =	sdelay $0x3  }
0x33: {  	p0 =	seq.s32 s10, $0x1;
	s10 =	sld [smem:$0x3FBA];
	_ =	sdelay $0x3  }
0x34: {  	[smem:$0x3FBA] =	sst s10  }
0x35: {  	s10 =	sld [smem:$0x3FB9];
	_ =	sdelay $0x3  }
0x36: {  	p1 =	seq.s32 s10, $0x1;
	s10 =	sld [smem:$0x3FBA];
	_ =	sdelay $0x3  }
0x37: {  	[smem:$0x3FBA] =	sst s10  }
0x38: {  	s10 =	sld [smem:$0x3FBB]  }
0x39: {  	_ = 	snop;
	(pc) =	sbr.ind lr, $3  }
0x3a: {  	_ = 	snop  }
0x3b: {  	_ = 	snop  }
0x3c: {  	p2 =	seq.s32 s10, $0x1;
	s10 =	sld [smem:$0x3FBA]  }
0x3d: {  	_ =	shalt  }
0x3e: {  	_ =	shalt  }
0x3f: {  	_ =	shalt  }
0x40: {  	_ =	shalt  }
0x41: {  	_ =	shalt  }
0x42: {  	_ =	shalt  }
0x43: {  	_ =	shalt  }
0x44: {  	_ =	shalt  }
0x45: {  	_ =	shalt  }
0x46: {  	_ =	shalt  }
0x47: {  	_ =	shalt  }
0x48: {  	_ =	shalt  }
0x49: {  	_ =	shalt  }
0x4a: {  	_ =	shalt  }
0x4b: {  	_ =	shalt  }
0x4c: {  	_ =	shalt  }
0x4d: {  	_ =	shalt  }
0x4e: {  	_ =	shalt  }
0x4f: {  	_ =	shalt  }
0x50: {  	_ =	shalt  }
0x51: {  	_ =	shalt  }
0x52: {  	_ =	shalt  }
0x53: {  	_ =	shalt  }
0x54: {  	_ =	shalt  }
0x55: {  	_ =	shalt  }
0x56: {  	_ =	shalt  }
0x57: {  	_ =	shalt  }
0x58: {  	_ =	shalt  }
0x59: {  	_ =	shalt  }
0x5a: {  	_ =	shalt  }
0x5b: {  	_ =	shalt  }
0x5c: {  	_ =	shalt  }
0x5d: {  	_ =	shalt  }
0x5e: {  	_ =	shalt  }
0x5f: {  	_ =	shalt  }
0x60: {  	_ =	shalt  }
0x61: {  	_ =	shalt  }
0x62: {  	_ =	shalt  }
0x63: {  	_ =	shalt  }
0x64: {  	_ =	shalt  }
0x65: {  	_ =	shalt  }
0x66: {  	_ =	shalt  }
0x67: {  	_ =	shalt  }
0x68: {  	_ =	shalt  }
0x69: {  	_ =	shalt  }
0x6a: {  	_ =	shalt  }
0x6b: {  	_ =	shalt  }
0x6c: {  	_ =	shalt  }
0x6d: {  	_ =	shalt  }
0x6e: {  	_ =	shalt  }
0x6f: {  	_ =	shalt  }
0x70: {  	_ =	shalt  }
0x71: {  	_ =	shalt  }
0x72: {  	_ =	shalt  }
0x73: {  	_ =	shalt  }
0x74: {  	_ =	shalt  }
0x75: {  	_ =	shalt  }
0x76: {  	_ =	shalt  }
0x77: {  	_ =	shalt  }
0x78: {  	_ =	shalt  }
0x79: {  	_ =	shalt  }
0x7a: {  	_ =	shalt  }
0x7b: {  	_ =	shalt  }
0x7c: {  	_ =	shalt  }
0x7d: {  	_ =	shalt  }
0x7e: {  	_ =	shalt  }
0x7f: {  	_ =	shalt  }
0x80: {  	_ =	shalt  }
0x81: {  	_ =	shalt  }
0x82: {  	_ =	shalt  }
0x83: {  	_ =	shalt  }
0x84: {  	_ =	shalt  }
0x85: {  	_ =	shalt  }
0x86: {  	_ =	shalt  }
0x87: {  	_ =	shalt  }
.Lfunc_end0:
.L_simem_size_0:
called_computation.1_lowered:
.L_overlay_start_0:
0x88: {  	s2 =	sld [smem:$0x3FD9]  }
0x89: {  	s3 =	sld [smem:$0x3FFE];
	_ =	sdelay $0x1  }
0x8a: {  	s1 =	srdreg.scid  }
0x8b: {  	s0 =	sand.u32 $0x1, s1  }
0x8c: {  	s17 =	sshll.u32 s0, $0xA;
	s2 =	sadd.s32 s3, s2  }
0x8d: {  	s2 =	sadd.s32 s2, s17  }
0x8e: {  	[smem:$0x3FC6] =	sst s2  }
0x8f: {  	_ = 	snop  }
0x90: {  	s2 =	sld [smem:$0x3FC8]  }
0x91: {  	s18 =	sld [smem:$0x3FD0];
	(tm) =	ssettm $0x1  }
0x92: {  	s4 =	sld [smem:$0x3FFB];
	_ =	sdelay $0x3  }
0x93: {  	_ =	strace s4  }
0x94: {  	s4 =	sld [smem:$0x3FFC];
	_ =	sdelay $0x3  }
0x95: {  	_ =	strace s4  }
0x96: {  	s4 =	sld [smem:$0x3FFD];
	_ =	sdelay $0x3  }
0x97: {  	_ =	strace s4  }
0x98: {  	_ =	strace $0x8FFFFFFF  }
0x99: {  	s19 =	sld [smem:$0x3FDB];
	_ =	sdelay $0x1  }
0x9a: {  	s5 =	simm.s32 $_scs_section_size  }
0x9b: {  	s6 =	simm.s32 $_size__tile_overlayer_lowered;
	s7 =	simm.s32 $_tile_overlayer_lowered  }
0x9c: {  	s22 =	simm.s32 $0x1BFF;
	s21 =	sshll.u32 s7, $0x1;
	s4 =	sadd.s32 s5, s19  }
0x9d: {  	s8 =	simm.s32 $0x0;
	s20 =	sshll.u32 s6, $0x1;
	s6 =	sadd.s32 s21, s4  }
0x9e: {  	[timem:s8], [sflag:s22] =	dma.local [hbm:s6], s20  }
0x9f: {  	_ =	swait.ge [sflag:s22], s20  }
0xa0: {  	s5 =	ssub.s32 $0x0, s20;
	[sflag:s22] =	ssyncset.done $0x0  }
0xa1: {  	[sflag:s22] =	ssyncadd.s32 s5;
	_ =	sdelay $0x1  }
0xa2: {  	s23 =	simm.s32 $0x1B8B  }
0xa3: {  	_ =	swait.ge [sflag:s23], $0x1  }
0xa4: {  	[sflag:s23] =	ssyncset.done $0x0  }
0xa5: {  	s25 =	simm.s32 $0x1B8E;
	s24 =	sld [smem:$0x3FFE];
	[sflag:s23] =	ssyncadd.s32 $0xFFFFFFFF  }
0xa6: {  	s26 =	simm.s32 $execute0_lowered;
	[smem:$0x3FD2] =	sst s25  }
0xa7: {  	s6 =	sshll.u32 s26, $0x1;
	_ =	strace $0x80000046;
	[dreg:$0x1] =	wrdreg $0xFFFFFFFF  }
0xa8: {  	s28 =	simm.s32 $_size_execute0_lowered;
	s4 =	sadd.s32 s4, s6;
	[dreg:$0x0] =	wrdreg $0x0  }
0xa9: {  	s6 =	sshll.u32 s28, $0x1;
	[dreg:$0x2] =	wrdreg s4  }
0xaa: {  	[dreg:$0x3] =	wrdreg s6  }
0xab: {  	[dreg:$0x4] =	wrdreg $0xC0  }
0xac: {  	_ =	task [dreg:s8], $0x5FFFF  }
0xad: {  	[dreg:$0x1] =	wrdreg $0xFFFFFFFF  }
0xae: {  	[dreg:$0x0] =	wrdreg $0x60  }
0xaf: {  	[dreg:$0x2] =	wrdreg s24  }
0xb0: {  	[dreg:$0x3] =	wrdreg s2  }
0xb1: {  	[dreg:$0x4] =	wrdreg s18  }
0xb2: {  	[dreg:$0x5] =	wrdreg $0x0  }
0xb3: {  	[dreg:$0x6] =	wrdreg $0x9  }
0xb4: {  	_ =	task.clear_ibuf [dreg:s8], $0x7FFFF;
	_ =	strace $0x90000046  }
0xb5: {  	s29 =	simm.s32 $0x9;
	_ =	strace $0x80000048  }
0xb6: {  	_ =	swait.ge [sflag:s29], $0x1  }
0xb7: {  	[sflag:s29] =	ssyncadd.s32 $0xFFFFFFFF  }
0xb8: {  	_ =	strace $0x90000048  }
0xb9: {  	_ =	sfence  }
0xba: {  	s30 =	sld [smem:$0x0];
	_ =	sdelay $0x2  }
0xbb: {  	s31 =	sshll.u32 s1, $0xD;
	s1 =	sshrl.u32 s1, $0x2  }
0xbc: {  	s3 =	sand.u32 $0x4000, s31;
	s1 =	sadd.s32 s1, s30  }
0xbd: {  	s0 =	sor.u32 s3, s0;
	s1 =	sshll.u32 s1, $0x11  }
0xbe: {  	s0 =	sor.u32 s1, s0  }
0xbf: {  	s0 =	sadd.s32 $0x8F2B, s0  }
0xc0: {  	[sflag:s0] =	ssyncadd.remote.s32 $0x1  }
0xc1: {  	_ =	sfence.sel $0xFFFF  }
0xc2: {  	[dreg:$0x0] =	wrdreg $0xFFFFFFFF;
	(pc) =	sbr.abs _section_cstart, $3  }
0xc3: {  	[dreg:$0x1] =	wrdreg $0xFFFFFFFF  }
0xc4: {  	_ =	task.clear_ibuf [dreg:s8], $0x2FFFF;
	_ =	strace $0x9FFFFFFF  }
0xc5: {  	(tm) =	ssettm $0x7FFFFFFF  }
tec
execute0_lowered:
.L_overlay_start_1:
0x0: {  	(tag) =	ssettag $0x1  }
0x1: {  	s0 =	rddreg [dreg:$0x0];
	s1 =	srdreg.scid  }
0x2: {  	s5 =	stileid.u32;
	s6 =	rddreg [dreg:$0x2];
	s10 =	simm.s32 $0x80  }
0x3: {  	s16 =	simm.s32 $0x9;
	s17 =	simm.s32 $0xA;
	s18 =	simm.s32 $0xB  }
0x4: {  	s19 =	simm.s32 $0xC;
	s20 =	simm.s32 $0x7;
	s21 =	simm.s32 $0x8  }
0x5: {  	s22 =	simm.s32 $0x0;
	s1 =	sand.u32 $0x1, s1;
	s2 =	sshll.u32 s5, $0x1  }
0x6: {  	s7 =	smul.u32 $0x190000, s5;
	p0 =	sne.s32 s5, $0x0;
	s3 =	sor.u32 s1, s2  }
0x7: {  	s2 =	rddreg [dreg:$0x3];
	s8 =	ssub.s32 $0x2, s1;
	s1 =	smul.u32 $0xC8000, s1  }
0x8: {  	s4 =	smul.u32 $0x380, s3;
	s3 =	simm.s32 $0x0;
	s9 =	sshrl.u32 s8, $0x1  }
0x9: {  	[smem:$0x7FF] =	sst s3;
	s8 =	ssub.s32 s8, s9;
	s1 =	sadd.s32 s1, s7  }
0xa: {  	s7 =	sshrl.u32 @!p0 s2, $0x3;
	s9 =	simm.s32 $0xD;
	_ =	strace $0x80000047  }
0xb: {  	s0 =	sadd.s32 s4, s0;
	s31 =	sshrl.u32 s1, $0x3;
	s5 =	smax.u32 s8, $0x1  }
0xc: {  	s8 =	simm.s32 $0x1F40;
	s4 =	sadd.s32 $0x800, s0;
	s1 =	sadd.s32 s31, s6  }
.LBB2_1:
0xd: {  	s0 =	simm.s32 @!p0 $0x1C0D  }
0xe: {  	s6 =	rddreg [dreg:$0x1];
	s13 =	simm.s32 $0x3B40;
	s14 =	simm.s32 $0x1FC0  }
0xf: {  	[spmem:s7], [sflag:s0] =	dma.local @!p0 [hbm:s6], $0x3E80  }
0x10: {  	s15 =	simm.s32 $0x7B40;
	s23 =	smul.u32 $0xAB, s3;
	s0 =	simm.s32 @!p0 $0xD  }
0x11: {  	s24 =	simm.s32 $0x2040;
	s11 =	simm.s32 $0xBB40;
	_ =	swait.ge @!p0 [sflag:s0], $0x3E80  }
0x12: {  	s28 =	simm.s32 $0x2;
	p2 =	por $0x0, $0x0;
	[sflag:s0] =	ssyncset.done @!p0 $0x0  }
0x13: {  	p1 =	por @!p2 $0x1, $0x1;
	s25 =	sshrl.u32 s23, $0xA;
	[sflag:s0] =	ssyncadd.s32 @!p0 $0xFFFFC180  }
0x14: {  	[tilespmem:s8], [sflag:$0xD] =	stream.linear.gather [hbm4b:s4+s3], $0x1900, $0x38;
	[tilespmem:$0x1BB40] =	vst v63  }
0x15: {  	s6 =	sand.u32 $0x3F, s25;
	s0 =	sadd.s32 $0x201, s23;
	_ =	swait.ge [sflag:s9], $0x1900  }
0x16: {  	s6 =	smul.u32 $0x6, s6;
	s0 =	sshrl.u32 s0, $0xA;
	[sflag:s9] =	ssyncset.done $0x0  }
0x17: {  	p1 =	por p1, p2;
	s0 =	sand.u32 $0x3F, s0;
	[sflag:s9] =	ssyncadd.s32 $0xFFFFE700  }
0x18: {  	s6 =	ssub.s32 $0x0, s6;
	s0 =	smul.u32 $0x6, s0;
	[bflag:$0x0] =	sbarrier.arrive $0xFFFF  }
0x19: {  	[tilespmem:s13], [sflag:$0x1] =	stream.indirect.gather [spmem:s2], $0x80, s8, s10, $0xb8;
	[tilespmem:$0x1BB40] =	vst v63  }
0x1a: {  	s25 =	simm.s32 $0x1;
	s6 =	sand.u32 $0xFF, s6;
	s0 =	ssub.s32 $0x0, s0  }
0x1b: {  	[tilespmem:s15], [sflag:$0x2] =	stream.indirect.gather [spmem:s2], $0x80, s14, s10, $0xb8;
	[tilespmem:$0x1BB40] =	vst v63  }
0x1c: {  	s23 =	simm.s32 $0x20C0;
	s12 =	sadd.s32 $0x1, s6;
	s0 =	sadd.s32 $0x3, s0  }
0x1d: {  	[tilespmem:s11], [sflag:$0x3] =	stream.indirect.gather [spmem:s2], $0x80, s24, s10, $0xb8;
	[tilespmem:$0x1BB40] =	vst v63  }
0x1e: {  	s26 =	sshll.u32 s6, $0xE;
	s24 =	sand.u32 $0xFF, s0;
	s0 =	sadd.s32 $0x7, s6  }
0x1f: {  	s11 =	sor.u32 $0x3B40, s26;
	s26 =	sadd.s32 $0x800, s1;
	_ =	swait.ge [sflag:s12], $0x4000  }
0x20: {  	s31 =	sadd.s32 @!p1 $0x7, s24;
	s6 =	sshll.u32 @!p2 s24, $0xE;
	s29 =	sadd.s32 @!p2 $0x1, s24  }
0x21: {  	s24 =	simm.s32 $0x2140;
	[sflag:s12] =	ssyncset.done $0x0;
	s30 =	sor.u32 @!p2 $0x3B40, s6  }
0x22: {  	s6 =	smov.u32 s1;
	[sflag:s12] =	ssyncadd.s32 $0xFFFFC000;
	s12 =	smul.u32 $0xAB, s25  }
.LBB2_2:
0x23: {  	[hbm4b:s6+s3] =	stream.linear.scatter [tilespmem:s11], [sflag:s0], $0x4000, $0x38;
	[tilespmem:$0x1BB40] =	vst v63  }
0x24: {  	s13 =	smov.u32 s28  }
0x25: {  	s0 =	smov.u32 s23;
	s23 =	smov.u32 s24;
	p4 =	por p2, p2  }
0x26: {  	s6 =	sshrl.u32 s12, $0xA;
	s11 =	sadd.s32 $0x201, s12;
	_ =	swait.ge @!p1 [sflag:s31], $0x4000  }
0x27: {  	s6 =	sand.u32 $0x3F, s6;
	s11 =	sshrl.u32 s11, $0xA;
	[sflag:s31] =	ssyncset.done @!p1 $0x0  }
0x28: {  	s12 =	smul.u32 $0x6, s6;
	s6 =	sand.u32 $0x3F, s11;
	[sflag:s31] =	ssyncadd.s32 @!p1 $0xFFFFC000  }
0x29: {  	s28 =	sadd.s32 $0x1, s28;
	s11 =	smul.u32 $0x6, s6;
	s6 =	smov.u32 s26  }
0x2a: {  	p3 =	sne.s32 s28, $0x32;
	s12 =	ssub.s32 s25, s12  }
0x2b: {  	p2 =	sgt.u32 s25, $0x2E;
	s12 =	sand.u32 $0xFF, s12;
	s11 =	ssub.s32 s25, s11  }
0x2c: {  	s11 =	sadd.s32 $0x3, s11;
	s31 =	sadd.s32 $0x1, s12;
	s14 =	sshll.u32 s12, $0xE  }
0x2d: {  	p1 =	slt.u32 @!p2 s25, $0x3;
	s15 =	sand.u32 $0xFF, s11;
	s11 =	simm.s32 @!p4 $0x80  }
0x2e: {  	[tilespmem:s30], [sflag:s29] =	stream.indirect.gather @!p4 [spmem:s2], $0x80, s0, s11, $0xb8;
	[tilespmem:$0x1BB40] =	vst v63  }
.Ltmp0:
0x2f: {  	s0 =	sadd.s32 $0x7, s12;
	_ =	swait.ge [sflag:s31], $0x4000;
	(pc) =	sbr.rel @p3 .LBB2_2-.Ltmp0, $4  }
0x30: {  	p1 =	por p1, p2;
	s11 =	sor.u32 $0x3B40, s14;
	[sflag:s31] =	ssyncset.done $0x0  }
0x31: {  	s25 =	smov.u32 s13;
	[sflag:s31] =	ssyncadd.s32 $0xFFFFC000;
	s31 =	sadd.s32 @!p1 $0x7, s15  }
0x32: {  	s24 =	sadd.s32 $0x80, s24;
	s13 =	sshll.u32 @!p2 s15, $0xE;
	s29 =	sadd.s32 @!p2 $0x1, s15  }
0x33: {  	s26 =	sadd.s32 $0x800, s26;
	s12 =	smul.u32 $0xAB, s25;
	s30 =	sor.u32 @!p2 $0x3B40, s13  }
0x34: {  	[hbm4b:s6+s3] =	stream.linear.scatter [tilespmem:s11], [sflag:s0], $0x4000, $0x38;
	[tilespmem:$0x1BB40] =	vst v63  }
0x35: {  	p2 =	por p2, p2;
	s14 =	sshrl.u32 s12, $0xA  }
0x36: {  	s15 =	sadd.s32 $0x201, s12;
	_ =	swait.ge @!p1 [sflag:s31], $0x4000;
	s13 =	simm.s32 @!p2 $0x80  }
0x37: {  	s0 =	sand.u32 $0x3F, s14;
	s6 =	sshrl.u32 s15, $0xA;
	[sflag:s31] =	ssyncset.done @!p1 $0x0  }
0x38: {  	s0 =	smul.u32 $0x6, s0;
	s6 =	sand.u32 $0x3F, s6;
	[sflag:s31] =	ssyncadd.s32 @!p1 $0xFFFFC000  }
0x39: {  	[tilespmem:s30], [sflag:s29] =	stream.indirect.gather @!p2 [spmem:s2], $0x80, s23, s13, $0xb8;
	[tilespmem:$0x1BB40] =	vst v63  }
0x3a: {  	p1 =	sgt.u32 s25, $0x2E;
	s6 =	smul.u32 $0x6, s6;
	s0 =	ssub.s32 s25, s0  }
0x3b: {  	p2 =	slt.u32 @!p1 s25, $0x3;
	s0 =	sand.u32 $0xFF, s0  }
0x3c: {  	p2 =	por p2, p1;
	s6 =	ssub.s32 s25, s6;
	s28 =	sadd.s32 $0x1, s0  }
0x3d: {  	s6 =	sadd.s32 $0x3, s6;
	s31 =	sshll.u32 s0, $0xE;
	_ =	swait.ge [sflag:s28], $0x4000  }
0x3e: {  	s0 =	sadd.s32 $0x7, s0;
	s6 =	sand.u32 $0xFF, s6;
	[sflag:s28] =	ssyncset.done $0x0  }
0x3f: {  	s12 =	sor.u32 $0x3B40, s31;
	s11 =	sadd.s32 @!p2 $0x7, s6;
	[sflag:s28] =	ssyncadd.s32 $0xFFFFC000  }
0x40: {  	[hbm4b:s26+s3] =	stream.linear.scatter [tilespmem:s12], [sflag:s0], $0x4000, $0x38;
	[tilespmem:$0x1BB40] =	vst v63  }
0x41: {  	p3 =	por p1, p1;
	_ =	swait.ge @!p2 [sflag:s11], $0x4000  }
0x42: {  	s0 =	sshll.u32 @!p1 s6, $0xE;
	s6 =	sadd.s32 @!p1 $0x1, s6;
	[sflag:s11] =	ssyncset.done @!p2 $0x0  }
0x43: {  	s0 =	sor.u32 @!p1 $0x3B40, s0;
	[sflag:s11] =	ssyncadd.s32 @!p2 $0xFFFFC000;
	s11 =	simm.s32 @!p3 $0x80  }
0x44: {  	[tilespmem:s0], [sflag:s6] =	stream.indirect.gather @!p3 [spmem:s2], $0x80, s24, s11, $0xb8;
	[tilespmem:$0x1BB40] =	vst v63  }
0x45: {  	_ =	swait.ge [sflag:s16], $0x4000  }
0x46: {  	[sflag:s16] =	ssyncset.done $0x0  }
0x47: {  	[sflag:s16] =	ssyncadd.s32 $0xFFFFC000  }
0x48: {  	_ =	swait.ge [sflag:s17], $0x4000  }
0x49: {  	[sflag:s17] =	ssyncset.done $0x0  }
0x4a: {  	[sflag:s17] =	ssyncadd.s32 $0xFFFFC000  }
0x4b: {  	_ =	swait.ge [sflag:s18], $0x4000  }
0x4c: {  	[sflag:s18] =	ssyncset.done $0x0  }
0x4d: {  	[sflag:s18] =	ssyncadd.s32 $0xFFFFC000  }
0x4e: {  	_ =	swait.ge [sflag:s19], $0x4000  }
0x4f: {  	[sflag:s19] =	ssyncset.done $0x0  }
0x50: {  	s22 =	sadd.s32 $0x1, s22;
	[sflag:s19] =	ssyncadd.s32 $0xFFFFC000  }
0x51: {  	p1 =	sne.s32 s22, s5;
	_ =	swait.ge [sflag:s20], $0x4000  }
.Ltmp1:
0x52: {  	[sflag:s20] =	ssyncset.done $0x0;
	(pc) =	sbr.rel @p1 .LBB2_1-.Ltmp1, $4  }
0x53: {  	[sflag:s20] =	ssyncadd.s32 $0xFFFFC000  }
0x54: {  	_ =	swait.ge [sflag:s21], $0x4000  }
0x55: {  	[sflag:s21] =	ssyncset.done $0x0  }
0x56: {  	[sflag:s21] =	ssyncadd.s32 $0xFFFFC000  }
0x57: {  	_ =	sfence.sel $0x180000  }
0x58: {  	[bflag:$0x0] =	sbarrier.arrive $0xFFFF  }
0x59: {  	_ =	strace $0x90000047  }
0x5a: {  	[bflag:$0x2] =	sbarrier.arrive $0xFFFF  }
0x5b: {  	s0 =	rddreg [dreg:$0x4]  }
0x5c: {  	s0 =	sadd.s32 @!p0 $0x100000, s0  }
0x5d: {  	[sflag:s0] =	ssyncadd.tile.s32 @!p0 $0x1;
	_ =	shalt  }
.Lfunc_end2:
_tile_overlayer_lowered:
.L_overlay_start_2:
0x5e: {  	(tag) =	ssettag $0x2  }
0x5f: {  	s0 =	rddreg [dreg:$0x0];
	s2 =	stileid.u32  }
0x60: {  	s1 =	rddreg [dreg:$0x1];
	p0 =	sne.s32 s2, $0x0  }
0x61: {  	s3 =	rddreg [dreg:$0x2];
	[bflag:$0x3] =	sbarrier.arrive $0xFFFF;
	s2 =	simm.s32 @!p0 $0x1C0D  }
0x62: {  	[timem:s3], [sflag:s2] =	dma.local @!p0 [hbm:s0], s1  }
0x63: {  	s0 =	simm.s32 @!p0 $0xD  }
0x64: {  	_ =	swait.ge @!p0 [sflag:s0], s1  }
0x65: {  	s1 =	ssub.s32 @!p0 $0x0, s1;
	[sflag:s0] =	ssyncset.done @!p0 $0x0  }
0x66: {  	[sflag:s0] =	ssyncadd.s32 @!p0 s1  }
0x67: {  	[bflag:$0x3] =	sbarrier.arrive $0xFFFF  }
0x68: {  	_ =	shalt  }

// kernel: sparse-core-data-format-call.cloned.1.call-start
scs
called_computation_lowered:
.L_overlay_start_0:
0x0: {  	s2 =	sld [smem:$0x3FD9]  }
0x1: {  	s3 =	sld [smem:$0x3FFE];
	_ =	sdelay $0x1  }
0x2: {  	s1 =	srdreg.scid  }
0x3: {  	s0 =	sand.u32 $0x1, s1  }
0x4: {  	s18 =	sshll.u32 s0, $0xA;
	s2 =	sadd.s32 s3, s2  }
0x5: {  	s2 =	sadd.s32 s2, s18  }
0x6: {  	[smem:$0x3FC6] =	sst s2  }
0x7: {  	_ = 	snop  }
0x8: {  	s2 =	sld [smem:$0x3FD0];
	(tm) =	ssettm $0x1  }
0x9: {  	s19 =	sld [smem:$0x3FFB];
	_ =	sdelay $0x3  }
0xa: {  	_ =	strace s19  }
0xb: {  	s3 =	sld [smem:$0x3FFC];
	_ =	sdelay $0x3  }
0xc: {  	_ =	strace s3  }
0xd: {  	s3 =	sld [smem:$0x3FFD];
	_ =	sdelay $0x3  }
0xe: {  	_ =	strace s3  }
0xf: {  	_ =	strace $0x8FFFFFFF  }
0x10: {  	s20 =	sld [smem:$0x3FDB];
	_ =	sdelay $0x1  }
0x11: {  	s4 =	simm.s32 $_scs_section_size  }
0x12: {  	s5 =	simm.s32 $_size__tile_overlayer_lowered;
	s6 =	simm.s32 $_tile_overlayer_lowered  }
0x13: {  	s23 =	simm.s32 $0x1BFF;
	s22 =	sshll.u32 s6, $0x1;
	s3 =	sadd.s32 s4, s20  }
0x14: {  	s7 =	simm.s32 $0x0;
	s21 =	sshll.u32 s5, $0x1;
	s5 =	sadd.s32 s22, s3  }
0x15: {  	[timem:s7], [sflag:s23] =	dma.local [hbm:s5], s21  }
0x16: {  	_ =	swait.ge [sflag:s23], s21  }
0x17: {  	s4 =	ssub.s32 $0x0, s21;
	[sflag:s23] =	ssyncset.done $0x0  }
0x18: {  	[sflag:s23] =	ssyncadd.s32 s4;
	_ =	sdelay $0x1  }
0x19: {  	s24 =	simm.s32 $0x1B8B  }
0x1a: {  	_ =	swait.ge [sflag:s24], $0x1  }
0x1b: {  	[sflag:s24] =	ssyncset.done $0x0  }
0x1c: {  	s26 =	simm.s32 $0x1B8E;
	s25 =	sld [smem:$0x3FFE];
	[sflag:s24] =	ssyncadd.s32 $0xFFFFFFFF  }
0x1d: {  	s27 =	simm.s32 $execute0_lowered;
	[smem:$0x3FD2] =	sst s26  }
0x1e: {  	s5 =	sshll.u32 s27, $0x1;
	_ =	strace $0x80000049;
	[dreg:$0x1] =	wrdreg $0xFFFFFFFF  }
0x1f: {  	s28 =	simm.s32 $_size_execute0_lowered;
	s3 =	sadd.s32 s3, s5;
	[dreg:$0x0] =	wrdreg $0x0  }
0x20: {  	s5 =	sshll.u32 s28, $0x1;
	[dreg:$0x2] =	wrdreg s3  }
0x21: {  	[dreg:$0x3] =	wrdreg s5  }
0x22: {  	[dreg:$0x4] =	wrdreg $0xC0  }
0x23: {  	_ =	task [dreg:s7], $0x5FFFF  }
0x24: {  	[dreg:$0x1] =	wrdreg $0xFFFFFFFF  }
0x25: {  	[dreg:$0x0] =	wrdreg $0x60  }
0x26: {  	[dreg:$0x2] =	wrdreg s25  }
0x27: {  	[dreg:$0x3] =	wrdreg s2  }
0x28: {  	[dreg:$0x4] =	wrdreg $0x9  }
0x29: {  	_ =	task.clear_ibuf [dreg:s7], $0x5FFFF;
	_ =	strace $0x90000049  }
0x2a: {  	s29 =	simm.s32 $0x9;
	_ =	strace $0x8000004B  }
0x2b: {  	_ =	swait.ge [sflag:s29], $0x1  }
0x2c: {  	[sflag:s29] =	ssyncadd.s32 $0xFFFFFFFF  }
0x2d: {  	_ =	strace $0x9000004B  }
0x2e: {  	_ =	sfence  }
0x2f: {  	s30 =	sld [smem:$0x0];
	_ =	sdelay $0x2  }
0x30: {  	s31 =	sshll.u32 s1, $0xD;
	s1 =	sshrl.u32 s1, $0x2  }
0x31: {  	s3 =	sand.u32 $0x4000, s31;
	s1 =	sadd.s32 s1, s30  }
0x32: {  	s0 =	sor.u32 s3, s0;
	s1 =	sshll.u32 s1, $0x11  }
0x33: {  	s0 =	sor.u32 s1, s0  }
0x34: {  	s0 =	sadd.s32 $0x8F2B, s0  }
0x35: {  	[sflag:s0] =	ssyncadd.remote.s32 $0x1  }
0x36: {  	_ =	sfence.sel $0xFFFF  }
0x37: {  	[dreg:$0x0] =	wrdreg $0xFFFFFFFF;
	(pc) =	sbr.abs _section_cstart, $3  }
0x38: {  	[dreg:$0x1] =	wrdreg $0xFFFFFFFF  }
0x39: {  	_ =	task.clear_ibuf [dreg:s7], $0x2FFFF;
	_ =	strace $0x9FFFFFFF  }
0x3a: {  	(tm) =	ssettm $0x7FFFFFFF  }
0x3b: {  	_ =	shalt  }
tec
execute0_lowered:
.L_overlay_start_1:
0x0: {  	(tag) =	ssettag $0x1  }
0x1: {  	s0 =	srdreg.scid  }
0x2: {  	s1 =	sshll.u32 s0, $0x4  }
0x3: {  	s0 =	stileid.u32;
	s1 =	sand.u32 $0x10, s1  }
0x4: {  	s1 =	sor.u32 s0, s1  }
0x5: {  	s6 =	rddreg [dreg:$0x0];
	s4 =	simm.s32 $0x1;
	s2 =	sshll.u32 s1, $0x6  }
0x6: {  	s7 =	simm.s32 $0x2;
	s13 =	simm.s32 $0x0;
	s1 =	ssub.s32 $0x1000, s2  }
0x7: {  	s8 =	simm.s32 $0x2000;
	s9 =	simm.s32 $0x80000;
	s3 =	sand.u32 $0x7C0, s1  }
0x8: {  	s14 =	simm.s32 $0x0;
	s5 =	sshrl.u32 s1, $0xB;
	p0 =	sne.s32 s3, $0x0  }
.Ltmp0:
0x9: {  	s1 =	rddreg [dreg:$0x2];
	s4 =	simm.s32 @!p0 $0x0;
	(pc) =	sbr.rel .LBB1_1-.Ltmp0, $4  }
0xa: {  	s10 =	simm.s32 $0x0;
	s3 =	rddreg [dreg:$0x1];
	s5 =	sadd.s32 s4, s5  }
0xb: {  	_ =	strace $0x8000004A;
	s4 =	simm.s32 $0x1;
	s5 =	smul.u32 $0x19, s5  }
0xc: {  	s12 =	simm.s32 $0x0;
	s6 =	sadd.s32 $0x800, s6;
	[sflag:s4] =	ssyncpa.u1 $0x0  }
0xd: {  	s11 =	smov.u32 s2;
	[sflag:s7] =	ssyncpa.u1 $0x0;
	s7 =	sadd.s32 $0x1, s5  }
.LBB1_7:
0xe: {  	s15 =	sadd.s32 $0x2, s10  }
0xf: {  	s13 =	sadd.s32 $0x800, s11;
	s17 =	smov.u32 s11;
	p1 =	sgt.s32 s15, $0x31  }
0x10: {  	s17 =	smov.u32 @p1 s13  }
0x11: {  	s15 =	simm.s32 @p1 $0x0;
	p1 =	sgt.s32 s17, $0xFFF  }
0x12: {  	s17 =	smov.u32 @p1 s2;
	p1 =	sne.s32 s12, s7  }
.Ltmp1:
0x13: {  	p0 =	slt.u32 s12, $0x2;
	(pc) =	sbr.rel @!p1 .LBB1_8-.Ltmp1, $4  }
0x14: {  	s16 =	simm.s32 @!p0 $0x2  }
0x15: {  	s14 =	smov.u32 s11;
	_ =	swait.ge @!p0 [sflag:s16], $0x4000  }
0x16: {  	s13 =	smov.u32 s10;
	[sflag:s16] =	ssyncset.done @!p0 $0x0;
	s10 =	smov.u32 s15  }
0x17: {  	s12 =	sadd.s32 $0x1, s12;
	[sflag:s16] =	ssyncadd.s32 @!p0 $0xFFFFC000;
	s11 =	smov.u32 s17  }
.LBB1_1:
0x18: {  	p0 =	sge.u32 s12, s5  }
0x19: {  	s15 =	sand.u32 @!p0 $0x1FFFFFF, s10  }
0x1a: {  	s16 =	smulhi.u32 @!p0 $0x4924925, s15;
	_ =	sdelay $0x1  }
0x1b: {  	s16 =	smul.u32 @!p0 $0x38, s16  }
0x1c: {  	s17 =	sxor.u32 @!p0 $0xFFFFFFFF, s12;
	s18 =	smul.u32 @!p0 $0x380, s11  }
0x1d: {  	s31 =	sadd.s32 $0xFFFFFFFF, s12;
	s17 =	sshll.u32 @!p0 s17, $0xE;
	s15 =	ssub.s32 @!p0 s15, s16  }
0x1e: {  	s16 =	sand.u32 @!p0 $0x4000, s17;
	s17 =	sadd.s32 @!p0 s6, s18;
	s15 =	sshll.u32 @!p0 s15, $0x4  }
0x1f: {  	s18 =	simm.s32 @!p0 $0x1C00;
	s15 =	sadd.s32 @!p0 s15, s17;
	s17 =	simm.s32 @!p0 $0x100  }
0x20: {  	[tilespmem:s16], [sflag:$0x1] =	stream.strided.gather @!p0 [hbm4b:s15+s17], $0x4000, s18, s17, $0x38;
	[tilespmem:$0x10000] =	vst v63  }
0x21: {  	p0 =	sge.u32 s31, s5  }
.Ltmp2:
0x22: {  	_ = 	snop;
	(pc) =	sbr.rel @p0 .LBB1_7-.Ltmp2, $1  }
0x23: {  	_ =	sdelay $0x3  }
0x24: {  	_ =	swait.ge [sflag:s4], $0x4000;
	s15 =	sshll.u32 s12, $0xE  }
0x25: {  	[sflag:s4] =	ssyncset.done $0x0;
	s16 =	sand.u32 $0x4000, s15  }
0x26: {  	s17 =	simm.s32 $0x0;
	[sflag:s4] =	ssyncadd.s32 $0xFFFFC000;
	s15 =	sor.u32 $0x8000, s16  }
.LBB1_3:
0x27: {  	s18 =	sshll.u32 s17, $0x8  }
0x28: {  	s18 =	sand.u32 $0x3FFFFF00, s18  }
0x29: {  	s19 =	sshll.u32 s17, $0x7;
	s18 =	sadd.s32 s18, s16  }
0x2a: {  	s19 =	sand.u32 $0x3FFFFF80, s19;
	v0 =	vmov s18  }
0x2b: {  	s19 =	sadd.s32 s19, s15  }
0x2c: {  	p0 =	por $0x1, $0x1;
	v1 =	vmov s19;
	s18 =	simm.s32 $0x0  }
.LBB1_4:
0x2d: {  	s19 =	sshll.u32 s18, $0x7  }
0x2e: {  	s19 =	sand.u32 $0x3FFFFF80, s19  }
0x2f: {  	v2 =	vld.idx.msk [tilespmem:v0+s19+$0x0 ss:$0x1], $0xffff  }
0x30: {  	v3 =	vld.idx.msk [tilespmem:v0+s19+$0x10 ss:$0x1], $0xffff  }
0x31: {  	v4 =	vld.idx.msk [tilespmem:v0+s19+$0x20 ss:$0x1], $0xffff  }
0x32: {  	s31 =	sshll.u32 s18, $0xD;
	v5 =	vld.idx.msk [tilespmem:v0+s19+$0x30 ss:$0x1], $0xffff  }
0x33: {  	s18 =	sand.u32 $0x3FFFE000, s31;
	v6 =	vld.idx.msk [tilespmem:v0+s19+$0x40 ss:$0x1], $0xffff  }
0x34: {  	v63 =	vld.idx.msk [tilespmem:v0+s19+$0x70 ss:$0x1], $0xffff;
	[tilespmem:v1+s18+$0x0 ss:$0x1] =	vst.idx.msk $0xffff, v2  }
0x35: {  	v2 =	vld.idx.msk [tilespmem:v0+s19+$0x50 ss:$0x1], $0xffff;
	[tilespmem:v1+s18+$0x10 ss:$0x1] =	vst.idx.msk $0xffff, v3  }
0x36: {  	p1 =	por p0, p0;
	v3 =	vld.idx.msk [tilespmem:v0+s19+$0x60 ss:$0x1], $0xffff;
	[tilespmem:v1+s18+$0x20 ss:$0x1] =	vst.idx.msk $0xffff, v4  }
.Ltmp3:
0x37: {  	[tilespmem:v1+s18+$0x30 ss:$0x1] =	vst.idx.msk $0xffff, v5;
	(pc) =	sbr.rel @p1 .LBB1_4-.Ltmp3, $4  }
0x38: {  	[tilespmem:v1+s18+$0x40 ss:$0x1] =	vst.idx.msk $0xffff, v6  }
0x39: {  	[tilespmem:v1+s18+$0x70 ss:$0x1] =	vst.idx.msk $0xffff, v63  }
0x3a: {  	[tilespmem:v1+s18+$0x50 ss:$0x1] =	vst.idx.msk $0xffff, v2  }
0x3b: {  	p0 =	por $0x0, $0x0;
	[tilespmem:v1+s18+$0x60 ss:$0x1] =	vst.idx.msk $0xffff, v3;
	s18 =	simm.s32 $0x1  }
0x3c: {  	s17 =	sadd.s32 $0x1, s17  }
0x3d: {  	p0 =	sne.s32 s17, $0x40  }
.Ltmp4:
0x3e: {  	_ = 	snop;
	(pc) =	sbr.rel @p0 .LBB1_3-.Ltmp4, $1  }
0x3f: {  	_ =	sdelay $0x3  }
.Ltmp5:
0x40: {  	s14 =	sshll.u32 s14, $0x4;
	(pc) =	sbr.rel .LBB1_7-.Ltmp5, $4  }
0x41: {  	s14 =	sand.u32 $0xFFF0, s14  }
0x42: {  	s13 =	sshll.u32 s13, $0x10;
	s14 =	sadd.s32 s3, s14  }
0x43: {  	s13 =	sadd.s32 s13, s14  }
0x44: {  	[hbm4b:s13+s8] =	stream.strided.scatter [tilespmem:s15], [sflag:$0x2], $0x4000, s9, s8, $0x38;
	[tilespmem:$0x10000] =	vst v63  }
.LBB1_8:
0x45: {  	_ =	sfence.sel $0x180000  }
0x46: {  	s2 =	simm.s32 $0x1;
	[bflag:$0x0] =	sbarrier.arrive $0xFFFF  }
0x47: {  	s31 =	simm.s32 $0x2;
	[sflag:s2] =	ssyncpa.u1 $0x1  }
0x48: {  	[sflag:s31] =	ssyncpa.u1 $0x1  }
0x49: {  	p0 =	sne.s32 s0, $0x0;
	_ =	strace $0x9000004A  }
0x4a: {  	s0 =	sadd.s32 @!p0 $0x100000, s1;
	[bflag:$0x2] =	sbarrier.arrive $0xFFFF  }
0x4b: {  	[sflag:s0] =	ssyncadd.tile.s32 @!p0 $0x1;
	_ =	shalt  }
.Lfunc_end1:
_tile_overlayer_lowered:
.L_overlay_start_2:
0x4c: {  	(tag) =	ssettag $0x2  }
0x4d: {  	s0 =	rddreg [dreg:$0x0];
	s2 =	stileid.u32  }
0x4e: {  	s1 =	rddreg [dreg:$0x1];
	p0 =	sne.s32 s2, $0x0  }
0x4f: {  	s3 =	rddreg [dreg:$0x2];
	[bflag:$0x3] =	sbarrier.arrive $0xFFFF;
	s2 =	simm.s32 @!p0 $0x1C01  }
0x50: {  	[timem:s3], [sflag:s2] =	dma.local @!p0 [hbm:s0], s1  }
0x51: {  	s0 =	simm.s32 @!p0 $0x1  }
0x52: {  	_ =	swait.ge @!p0 [sflag:s0], s1  }
0x53: {  	s1 =	ssub.s32 @!p0 $0x0, s1;
	[sflag:s0] =	ssyncset.done @!p0 $0x0  }
0x54: {  	[sflag:s0] =	ssyncadd.s32 @!p0 s1  }
0x55: {  	[bflag:$0x3] =	sbarrier.arrive $0xFFFF  }
0x56: {  	_ =	shalt  }

</sc_bundles>
